<compile_context>
chip_gen: v7x
topology: tpu7x:2x2x1
jax: 0.10.2.dev20260603
libtpu: 0.0.44.dev20260713+nightly
codegen_flags: <defaults>
</compile_context>

<pallas_src>
import jax
import jax.numpy as jnp
from jax import lax
from jax.experimental import pallas as pl
from jax.experimental.pallas import tpu as pltpu
from jax.experimental.pallas import tpu_sc as plsc

_B = 16384
_Q = 1000000
_C = 32768
_NFULL = 30
_REM = _Q - _NFULL * _C


def _sc_body(val_hbm, pri_hbm, mem_hbm, mpri_hbm, o_mem, o_pri,
             buf_m, buf_p, s0, s1, s2, s3):
    wid = lax.axis_index("s") * 2 + lax.axis_index("c")
    base = wid * _C

    @pl.when(wid == 0)
    def _head_stripe():
        ins = [
            pltpu.make_async_copy(val_hbm, buf_m.at[pl.ds(0, _B)], s0),
            pltpu.make_async_copy(pri_hbm, buf_p.at[pl.ds(0, _B)], s1),
            pltpu.make_async_copy(mem_hbm.at[pl.ds(_B, _C - _B)],
                                  buf_m.at[pl.ds(_B, _C - _B)], s2),
            pltpu.make_async_copy(mpri_hbm.at[pl.ds(_B, _C - _B)],
                                  buf_p.at[pl.ds(_B, _C - _B)], s3),
        ]
        for c in ins:
            c.start()
        for c in ins:
            c.wait()
        outs = [
            pltpu.make_async_copy(buf_m, o_mem.at[pl.ds(0, _C)], s0),
            pltpu.make_async_copy(buf_p, o_pri.at[pl.ds(0, _C)], s1),
        ]
        for c in outs:
            c.start()
        for c in outs:
            c.wait()

    @pl.when((wid > 0) & (wid < _NFULL))
    def _full_stripe():
        ins = [
            pltpu.make_async_copy(mem_hbm.at[pl.ds(base, _C)], buf_m, s0),
            pltpu.make_async_copy(mpri_hbm.at[pl.ds(base, _C)], buf_p, s1),
        ]
        for c in ins:
            c.start()
        for c in ins:
            c.wait()
        outs = [
            pltpu.make_async_copy(buf_m, o_mem.at[pl.ds(base, _C)], s0),
            pltpu.make_async_copy(buf_p, o_pri.at[pl.ds(base, _C)], s1),
        ]
        for c in outs:
            c.start()
        for c in outs:
            c.wait()

    @pl.when(wid == _NFULL)
    def _rem_stripe():
        rbase = _NFULL * _C
        ins = [
            pltpu.make_async_copy(mem_hbm.at[pl.ds(rbase, _REM)],
                                  buf_m.at[pl.ds(0, _REM)], s0),
            pltpu.make_async_copy(mpri_hbm.at[pl.ds(rbase, _REM)],
                                  buf_p.at[pl.ds(0, _REM)], s1),
        ]
        for c in ins:
            c.start()
        for c in ins:
            c.wait()
        outs = [
            pltpu.make_async_copy(buf_m.at[pl.ds(0, _REM)],
                                  o_mem.at[pl.ds(rbase, _REM)], s0),
            pltpu.make_async_copy(buf_p.at[pl.ds(0, _REM)],
                                  o_pri.at[pl.ds(rbase, _REM)], s1),
        ]
        for c in outs:
            c.start()
        for c in outs:
            c.wait()


def kernel(slot_id, index, value, priority, mem, mem_priority, mem_index,
           ref_table, latest_version):
    B = value.shape[0]
    Q = mem.shape[0]
    assert B == _B and Q == _Q

    mesh = plsc.VectorSubcoreMesh(core_axis_name="c", subcore_axis_name="s")
    sc_update = pl.kernel(
        _sc_body,
        out_type=(
            jax.ShapeDtypeStruct((Q,), mem.dtype),
            jax.ShapeDtypeStruct((Q,), mem_priority.dtype),
        ),
        mesh=mesh,
        scratch_types=[
            pltpu.VMEM((_C,), jnp.float32),
            pltpu.VMEM((_C,), jnp.float32),
            pltpu.SemaphoreType.DMA,
            pltpu.SemaphoreType.DMA,
            pltpu.SemaphoreType.DMA,
            pltpu.SemaphoreType.DMA,
        ],
    )
    new_mem, new_priority = sc_update(value, priority, mem, mem_priority)

    new_index = lax.dynamic_update_slice(mem_index, index, (0, 0))
    new_ref = lax.dynamic_update_slice(
        ref_table, jnp.ones((B, 1), ref_table.dtype), (0, 0))
    new_version = latest_version.at[slot_id].add(1)
    return new_mem, new_priority, new_index, new_ref, new_version

# --- scband reference (transcript-rebuilt; emitter-appended) ---
"""Pipeline reference for scband-memory-backend-90915867721915 (READ-ONLY COPY).

The authoritative reference and input builder live on the scoring server;
editing this copy changes nothing except your own understanding.
"""

import jax, jax.numpy as jnp
import numpy as np

QUANTITY = 1000000
B = 16384


def setup_inputs(seed: int = 0) -> dict:
    key = jax.random.key(seed)
    k1, k2, k3 = jax.random.split(key, 3)
    value = jax.random.normal(k1, (B,), dtype=jnp.float32)
    priority = jax.random.uniform(k2, (B,), dtype=jnp.float32)
    index = jax.random.randint(k3, (B, 2), 0, QUANTITY).astype(jnp.int64)
    # Learned / persistent state sized per init_kwargs (quantity=1e6, dtype=float32)
    mem = jnp.zeros((QUANTITY,), dtype=jnp.float32)            # self.value parameter
    mem_priority = jnp.ones((QUANTITY,), dtype=jnp.float32)    # self.priority buffer
    mem_index = jnp.zeros((QUANTITY, 2), dtype=jnp.int64)      # self.index buffer
    ref_table = jnp.zeros((QUANTITY, 1), dtype=bool)           # self.reference (after one register())
    latest_version = jnp.zeros((1,), dtype=jnp.int64)          # self.latest_version
    return {
        "slot_id": 0,
        "index": index,
        "value": value,
        "priority": priority,
        "mem": mem,
        "mem_priority": mem_priority,
        "mem_index": mem_index,
        "ref_table": ref_table,
        "latest_version": latest_version,
    }


def reference(slot_id, index, value, priority, mem, mem_priority, mem_index, ref_table, latest_version):
    """Faithful jax rendering of MemoryBackend.reserve():
    free (unowned) slots are claimed first, then the lowest-priority
    occupied slots are evicted, and the new (index, value, priority)
    triples are scattered into the backing store for owner `slot_id`.
    The version counter for `slot_id` is bumped.
    """
    n_write = value.shape[0]
    occupied = ref_table.any(axis=-1)
    # Free slots sort first (-inf), then occupied slots by ascending priority (evict cheapest)
    eff_priority = jnp.where(occupied, mem_priority, -jnp.inf)
    slots = jnp.argsort(eff_priority)[:n_write]
    new_mem = mem.at[slots].set(value)
    new_priority = mem_priority.at[slots].set(priority)
    new_index = mem_index.at[slots].set(index)
    new_ref = ref_table.at[slots, slot_id].set(True)
    new_version = latest_version.at[slot_id].add(1)
    return new_mem, new_priority, new_index, new_ref, new_version

if __name__ == "__main__":
    import jax
    _d = setup_inputs()
    print(jax.jit(kernel)(*tuple(_d.values())))

</pallas_src>

<mosaic_0001>
#map = affine_map<(d0, d1) -> (0)>
module attributes {stable_mosaic.version = 14 : i64} {
  func.func @_sc_body(%arg0: i32, %arg1: i32, %arg2: memref<16384xf32, #tpu.memory_space<hbm>>, %arg3: memref<16384xf32, #tpu.memory_space<hbm>>, %arg4: memref<1000000xf32, #tpu.memory_space<hbm>>, %arg5: memref<1000000xf32, #tpu.memory_space<hbm>>, %arg6: memref<1000000xf32, #tpu.memory_space<hbm>>, %arg7: memref<1000000xf32, #tpu.memory_space<hbm>>, %arg8: memref<32768xf32, #tpu.memory_space<vmem>>, %arg9: memref<32768xf32, #tpu.memory_space<vmem>>, %arg10: memref<!tpu.dma_semaphore, #tpu.memory_space<semaphore_mem>>, %arg11: memref<!tpu.dma_semaphore, #tpu.memory_space<semaphore_mem>>, %arg12: memref<!tpu.dma_semaphore, #tpu.memory_space<semaphore_mem>>, %arg13: memref<!tpu.dma_semaphore, #tpu.memory_space<semaphore_mem>>) attributes {dimension_semantics = [#tpu.dimension_semantics<core_parallel>, #tpu.dimension_semantics<subcore_parallel>], iteration_bounds = array<i64: 2, 16>, scalar_prefetch = 0 : i64, scratch_operands = 6 : i64, tpu.core_type = #tpu.core_type<sc_vector_subcore>, window_params = [{transform_indices = #map}, {transform_indices = #map}, {transform_indices = #map}, {transform_indices = #map}, {transform_indices = #map}, {transform_indices = #map}]} {
    %mul3A = arith.constant 2 : i32
    %mul3A_0 = arith.muli %arg1, %mul3A : i32
    %add3A = arith.addi %mul3A_0, %arg0 : i32
    %mul3A_1 = arith.constant 32768 : i32
    %mul3A_2 = arith.muli %add3A, %mul3A_1 : i32
    %eq3A = arith.constant 0 : i32
    %eq3A_3 = arith.cmpi eq, %add3A, %eq3A : i32
    %convert_element_type3A = arith.extui %eq3A_3 : i1 to i32
    %cond3A = arith.constant 0 : i32
    %cond3A_4 = arith.cmpi ne, %convert_element_type3A, %cond3A : i32
    scf.if %cond3A_4 {
      %dma_start3A = arith.constant 0 : i32
      %dma_start3A_15 = tpu.memref_slice %arg8[%dma_start3A] : memref<32768xf32, #tpu.memory_space<vmem>> -> memref<16384xf32, #tpu.memory_space<vmem>>
      %dma_start3A_16 = arith.constant 0 : i32
      %dma_start3A_17 = tpu.memref_slice %arg8[%dma_start3A_16] : memref<32768xf32, #tpu.memory_space<vmem>> -> memref<16384xf32, #tpu.memory_space<vmem>>
      tpu.enqueue_dma source(%arg2 : memref<16384xf32, #tpu.memory_space<hbm>>) target(%dma_start3A_17 : memref<16384xf32, #tpu.memory_space<vmem>>) target_semaphore(%arg10 : memref<!tpu.dma_semaphore, #tpu.memory_space<semaphore_mem>>)
      %dma_start3A_18 = arith.constant 0 : i32
      %dma_start3A_19 = tpu.memref_slice %arg9[%dma_start3A_18] : memref<32768xf32, #tpu.memory_space<vmem>> -> memref<16384xf32, #tpu.memory_space<vmem>>
      %dma_start3A_20 = arith.constant 0 : i32
      %dma_start3A_21 = tpu.memref_slice %arg9[%dma_start3A_20] : memref<32768xf32, #tpu.memory_space<vmem>> -> memref<16384xf32, #tpu.memory_space<vmem>>
      tpu.enqueue_dma source(%arg3 : memref<16384xf32, #tpu.memory_space<hbm>>) target(%dma_start3A_21 : memref<16384xf32, #tpu.memory_space<vmem>>) target_semaphore(%arg11 : memref<!tpu.dma_semaphore, #tpu.memory_space<semaphore_mem>>)
      %dma_start3A_22 = arith.constant 16384 : i32
      %dma_start3A_23 = tpu.memref_slice %arg8[%dma_start3A_22] : memref<32768xf32, #tpu.memory_space<vmem>> -> memref<16384xf32, #tpu.memory_space<vmem>>
      %dma_start3A_24 = arith.constant 16384 : i32
      %dma_start3A_25 = tpu.memref_slice %arg4[%dma_start3A_24] : memref<1000000xf32, #tpu.memory_space<hbm>> -> memref<16384xf32, #tpu.memory_space<hbm>>
      %dma_start3A_26 = arith.constant 16384 : i32
      %dma_start3A_27 = tpu.memref_slice %arg8[%dma_start3A_26] : memref<32768xf32, #tpu.memory_space<vmem>> -> memref<16384xf32, #tpu.memory_space<vmem>>
      %dma_start3A_28 = arith.constant 16384 : i32
      %dma_start3A_29 = tpu.memref_slice %arg4[%dma_start3A_28] : memref<1000000xf32, #tpu.memory_space<hbm>> -> memref<16384xf32, #tpu.memory_space<hbm>>
      tpu.enqueue_dma source(%dma_start3A_29 : memref<16384xf32, #tpu.memory_space<hbm>>) target(%dma_start3A_27 : memref<16384xf32, #tpu.memory_space<vmem>>) target_semaphore(%arg12 : memref<!tpu.dma_semaphore, #tpu.memory_space<semaphore_mem>>)
      %dma_start3A_30 = arith.constant 16384 : i32
      %dma_start3A_31 = tpu.memref_slice %arg9[%dma_start3A_30] : memref<32768xf32, #tpu.memory_space<vmem>> -> memref<16384xf32, #tpu.memory_space<vmem>>
      %dma_start3A_32 = arith.constant 16384 : i32
      %dma_start3A_33 = tpu.memref_slice %arg5[%dma_start3A_32] : memref<1000000xf32, #tpu.memory_space<hbm>> -> memref<16384xf32, #tpu.memory_space<hbm>>
      %dma_start3A_34 = arith.constant 16384 : i32
      %dma_start3A_35 = tpu.memref_slice %arg9[%dma_start3A_34] : memref<32768xf32, #tpu.memory_space<vmem>> -> memref<16384xf32, #tpu.memory_space<vmem>>
      %dma_start3A_36 = arith.constant 16384 : i32
      %dma_start3A_37 = tpu.memref_slice %arg5[%dma_start3A_36] : memref<1000000xf32, #tpu.memory_space<hbm>> -> memref<16384xf32, #tpu.memory_space<hbm>>
      tpu.enqueue_dma source(%dma_start3A_37 : memref<16384xf32, #tpu.memory_space<hbm>>) target(%dma_start3A_35 : memref<16384xf32, #tpu.memory_space<vmem>>) target_semaphore(%arg13 : memref<!tpu.dma_semaphore, #tpu.memory_space<semaphore_mem>>)
      %dma_wait3A = arith.constant 0 : i32
      %dma_wait3A_38 = tpu.memref_slice %arg8[%dma_wait3A] : memref<32768xf32, #tpu.memory_space<vmem>> -> memref<16384xf32, #tpu.memory_space<vmem>>
      %dma_wait3A_39 = arith.constant 0 : i32
      %dma_wait3A_40 = tpu.memref_slice %arg8[%dma_wait3A_39] : memref<32768xf32, #tpu.memory_space<vmem>> -> memref<16384xf32, #tpu.memory_space<vmem>>
      tpu.wait_dma2 semaphore(%arg10 : memref<!tpu.dma_semaphore, #tpu.memory_space<semaphore_mem>>) src(%arg2 : memref<16384xf32, #tpu.memory_space<hbm>>) dst(%dma_wait3A_40 : memref<16384xf32, #tpu.memory_space<vmem>>)
      %dma_wait3A_41 = arith.constant 0 : i32
      %dma_wait3A_42 = tpu.memref_slice %arg9[%dma_wait3A_41] : memref<32768xf32, #tpu.memory_space<vmem>> -> memref<16384xf32, #tpu.memory_space<vmem>>
      %dma_wait3A_43 = arith.constant 0 : i32
      %dma_wait3A_44 = tpu.memref_slice %arg9[%dma_wait3A_43] : memref<32768xf32, #tpu.memory_space<vmem>> -> memref<16384xf32, #tpu.memory_space<vmem>>
      tpu.wait_dma2 semaphore(%arg11 : memref<!tpu.dma_semaphore, #tpu.memory_space<semaphore_mem>>) src(%arg3 : memref<16384xf32, #tpu.memory_space<hbm>>) dst(%dma_wait3A_44 : memref<16384xf32, #tpu.memory_space<vmem>>)
      %dma_wait3A_45 = arith.constant 16384 : i32
      %dma_wait3A_46 = tpu.memref_slice %arg8[%dma_wait3A_45] : memref<32768xf32, #tpu.memory_space<vmem>> -> memref<16384xf32, #tpu.memory_space<vmem>>
      %dma_wait3A_47 = arith.constant 16384 : i32
      %dma_wait3A_48 = tpu.memref_slice %arg4[%dma_wait3A_47] : memref<1000000xf32, #tpu.memory_space<hbm>> -> memref<16384xf32, #tpu.memory_space<hbm>>
      %dma_wait3A_49 = arith.constant 16384 : i32
      %dma_wait3A_50 = tpu.memref_slice %arg8[%dma_wait3A_49] : memref<32768xf32, #tpu.memory_space<vmem>> -> memref<16384xf32, #tpu.memory_space<vmem>>
      %dma_wait3A_51 = arith.constant 16384 : i32
      %dma_wait3A_52 = tpu.memref_slice %arg4[%dma_wait3A_51] : memref<1000000xf32, #tpu.memory_space<hbm>> -> memref<16384xf32, #tpu.memory_space<hbm>>
      tpu.wait_dma2 semaphore(%arg12 : memref<!tpu.dma_semaphore, #tpu.memory_space<semaphore_mem>>) src(%dma_wait3A_52 : memref<16384xf32, #tpu.memory_space<hbm>>) dst(%dma_wait3A_50 : memref<16384xf32, #tpu.memory_space<vmem>>)
      %dma_wait3A_53 = arith.constant 16384 : i32
      %dma_wait3A_54 = tpu.memref_slice %arg9[%dma_wait3A_53] : memref<32768xf32, #tpu.memory_space<vmem>> -> memref<16384xf32, #tpu.memory_space<vmem>>
      %dma_wait3A_55 = arith.constant 16384 : i32
      %dma_wait3A_56 = tpu.memref_slice %arg5[%dma_wait3A_55] : memref<1000000xf32, #tpu.memory_space<hbm>> -> memref<16384xf32, #tpu.memory_space<hbm>>
      %dma_wait3A_57 = arith.constant 16384 : i32
      %dma_wait3A_58 = tpu.memref_slice %arg9[%dma_wait3A_57] : memref<32768xf32, #tpu.memory_space<vmem>> -> memref<16384xf32, #tpu.memory_space<vmem>>
      %dma_wait3A_59 = arith.constant 16384 : i32
      %dma_wait3A_60 = tpu.memref_slice %arg5[%dma_wait3A_59] : memref<1000000xf32, #tpu.memory_space<hbm>> -> memref<16384xf32, #tpu.memory_space<hbm>>
      tpu.wait_dma2 semaphore(%arg13 : memref<!tpu.dma_semaphore, #tpu.memory_space<semaphore_mem>>) src(%dma_wait3A_60 : memref<16384xf32, #tpu.memory_space<hbm>>) dst(%dma_wait3A_58 : memref<16384xf32, #tpu.memory_space<vmem>>)
      %dma_start3A_61 = arith.constant 0 : i32
      %dma_start3A_62 = tpu.memref_slice %arg6[%dma_start3A_61] : memref<1000000xf32, #tpu.memory_space<hbm>> -> memref<32768xf32, #tpu.memory_space<hbm>>
      %dma_start3A_63 = arith.constant 0 : i32
      %dma_start3A_64 = tpu.memref_slice %arg6[%dma_start3A_63] : memref<1000000xf32, #tpu.memory_space<hbm>> -> memref<32768xf32, #tpu.memory_space<hbm>>
      tpu.enqueue_dma source(%arg8 : memref<32768xf32, #tpu.memory_space<vmem>>) target(%dma_start3A_64 : memref<32768xf32, #tpu.memory_space<hbm>>) target_semaphore(%arg10 : memref<!tpu.dma_semaphore, #tpu.memory_space<semaphore_mem>>)
      %dma_start3A_65 = arith.constant 0 : i32
      %dma_start3A_66 = tpu.memref_slice %arg7[%dma_start3A_65] : memref<1000000xf32, #tpu.memory_space<hbm>> -> memref<32768xf32, #tpu.memory_space<hbm>>
      %dma_start3A_67 = arith.constant 0 : i32
      %dma_start3A_68 = tpu.memref_slice %arg7[%dma_start3A_67] : memref<1000000xf32, #tpu.memory_space<hbm>> -> memref<32768xf32, #tpu.memory_space<hbm>>
      tpu.enqueue_dma source(%arg9 : memref<32768xf32, #tpu.memory_space<vmem>>) target(%dma_start3A_68 : memref<32768xf32, #tpu.memory_space<hbm>>) target_semaphore(%arg11 : memref<!tpu.dma_semaphore, #tpu.memory_space<semaphore_mem>>)
      %dma_wait3A_69 = arith.constant 0 : i32
      %dma_wait3A_70 = tpu.memref_slice %arg6[%dma_wait3A_69] : memref<1000000xf32, #tpu.memory_space<hbm>> -> memref<32768xf32, #tpu.memory_space<hbm>>
      %dma_wait3A_71 = arith.constant 0 : i32
      %dma_wait3A_72 = tpu.memref_slice %arg6[%dma_wait3A_71] : memref<1000000xf32, #tpu.memory_space<hbm>> -> memref<32768xf32, #tpu.memory_space<hbm>>
      tpu.wait_dma2 semaphore(%arg10 : memref<!tpu.dma_semaphore, #tpu.memory_space<semaphore_mem>>) src(%arg8 : memref<32768xf32, #tpu.memory_space<vmem>>) dst(%dma_wait3A_72 : memref<32768xf32, #tpu.memory_space<hbm>>)
      %dma_wait3A_73 = arith.constant 0 : i32
      %dma_wait3A_74 = tpu.memref_slice %arg7[%dma_wait3A_73] : memref<1000000xf32, #tpu.memory_space<hbm>> -> memref<32768xf32, #tpu.memory_space<hbm>>
      %dma_wait3A_75 = arith.constant 0 : i32
      %dma_wait3A_76 = tpu.memref_slice %arg7[%dma_wait3A_75] : memref<1000000xf32, #tpu.memory_space<hbm>> -> memref<32768xf32, #tpu.memory_space<hbm>>
      tpu.wait_dma2 semaphore(%arg11 : memref<!tpu.dma_semaphore, #tpu.memory_space<semaphore_mem>>) src(%arg9 : memref<32768xf32, #tpu.memory_space<vmem>>) dst(%dma_wait3A_76 : memref<32768xf32, #tpu.memory_space<hbm>>)
    } else {
    }
    %gt3A = arith.constant 0 : i32
    %gt3A_5 = arith.cmpi sgt, %add3A, %gt3A : i32
    %lt3A = arith.constant 30 : i32
    %lt3A_6 = arith.cmpi slt, %add3A, %lt3A : i32
    %and3A = arith.andi %gt3A_5, %lt3A_6 : i1
    %convert_element_type3A_7 = arith.extui %and3A : i1 to i32
    %cond3A_8 = arith.constant 0 : i32
    %cond3A_9 = arith.cmpi ne, %convert_element_type3A_7, %cond3A_8 : i32
    scf.if %cond3A_9 {
      %dma_start3A = tpu.memref_slice %arg4[%mul3A_2] : memref<1000000xf32, #tpu.memory_space<hbm>> -> memref<32768xf32, #tpu.memory_space<hbm>>
      %dma_start3A_15 = tpu.memref_slice %arg4[%mul3A_2] : memref<1000000xf32, #tpu.memory_space<hbm>> -> memref<32768xf32, #tpu.memory_space<hbm>>
      tpu.enqueue_dma source(%dma_start3A_15 : memref<32768xf32, #tpu.memory_space<hbm>>) target(%arg8 : memref<32768xf32, #tpu.memory_space<vmem>>) target_semaphore(%arg10 : memref<!tpu.dma_semaphore, #tpu.memory_space<semaphore_mem>>)
      %dma_start3A_16 = tpu.memref_slice %arg5[%mul3A_2] : memref<1000000xf32, #tpu.memory_space<hbm>> -> memref<32768xf32, #tpu.memory_space<hbm>>
      %dma_start3A_17 = tpu.memref_slice %arg5[%mul3A_2] : memref<1000000xf32, #tpu.memory_space<hbm>> -> memref<32768xf32, #tpu.memory_space<hbm>>
      tpu.enqueue_dma source(%dma_start3A_17 : memref<32768xf32, #tpu.memory_space<hbm>>) target(%arg9 : memref<32768xf32, #tpu.memory_space<vmem>>) target_semaphore(%arg11 : memref<!tpu.dma_semaphore, #tpu.memory_space<semaphore_mem>>)
      %dma_wait3A = tpu.memref_slice %arg4[%mul3A_2] : memref<1000000xf32, #tpu.memory_space<hbm>> -> memref<32768xf32, #tpu.memory_space<hbm>>
      %dma_wait3A_18 = tpu.memref_slice %arg4[%mul3A_2] : memref<1000000xf32, #tpu.memory_space<hbm>> -> memref<32768xf32, #tpu.memory_space<hbm>>
      tpu.wait_dma2 semaphore(%arg10 : memref<!tpu.dma_semaphore, #tpu.memory_space<semaphore_mem>>) src(%dma_wait3A_18 : memref<32768xf32, #tpu.memory_space<hbm>>) dst(%arg8 : memref<32768xf32, #tpu.memory_space<vmem>>)
      %dma_wait3A_19 = tpu.memref_slice %arg5[%mul3A_2] : memref<1000000xf32, #tpu.memory_space<hbm>> -> memref<32768xf32, #tpu.memory_space<hbm>>
      %dma_wait3A_20 = tpu.memref_slice %arg5[%mul3A_2] : memref<1000000xf32, #tpu.memory_space<hbm>> -> memref<32768xf32, #tpu.memory_space<hbm>>
      tpu.wait_dma2 semaphore(%arg11 : memref<!tpu.dma_semaphore, #tpu.memory_space<semaphore_mem>>) src(%dma_wait3A_20 : memref<32768xf32, #tpu.memory_space<hbm>>) dst(%arg9 : memref<32768xf32, #tpu.memory_space<vmem>>)
      %dma_start3A_21 = tpu.memref_slice %arg6[%mul3A_2] : memref<1000000xf32, #tpu.memory_space<hbm>> -> memref<32768xf32, #tpu.memory_space<hbm>>
      %dma_start3A_22 = tpu.memref_slice %arg6[%mul3A_2] : memref<1000000xf32, #tpu.memory_space<hbm>> -> memref<32768xf32, #tpu.memory_space<hbm>>
      tpu.enqueue_dma source(%arg8 : memref<32768xf32, #tpu.memory_space<vmem>>) target(%dma_start3A_22 : memref<32768xf32, #tpu.memory_space<hbm>>) target_semaphore(%arg10 : memref<!tpu.dma_semaphore, #tpu.memory_space<semaphore_mem>>)
      %dma_start3A_23 = tpu.memref_slice %arg7[%mul3A_2] : memref<1000000xf32, #tpu.memory_space<hbm>> -> memref<32768xf32, #tpu.memory_space<hbm>>
      %dma_start3A_24 = tpu.memref_slice %arg7[%mul3A_2] : memref<1000000xf32, #tpu.memory_space<hbm>> -> memref<32768xf32, #tpu.memory_space<hbm>>
      tpu.enqueue_dma source(%arg9 : memref<32768xf32, #tpu.memory_space<vmem>>) target(%dma_start3A_24 : memref<32768xf32, #tpu.memory_space<hbm>>) target_semaphore(%arg11 : memref<!tpu.dma_semaphore, #tpu.memory_space<semaphore_mem>>)
      %dma_wait3A_25 = tpu.memref_slice %arg6[%mul3A_2] : memref<1000000xf32, #tpu.memory_space<hbm>> -> memref<32768xf32, #tpu.memory_space<hbm>>
      %dma_wait3A_26 = tpu.memref_slice %arg6[%mul3A_2] : memref<1000000xf32, #tpu.memory_space<hbm>> -> memref<32768xf32, #tpu.memory_space<hbm>>
      tpu.wait_dma2 semaphore(%arg10 : memref<!tpu.dma_semaphore, #tpu.memory_space<semaphore_mem>>) src(%arg8 : memref<32768xf32, #tpu.memory_space<vmem>>) dst(%dma_wait3A_26 : memref<32768xf32, #tpu.memory_space<hbm>>)
      %dma_wait3A_27 = tpu.memref_slice %arg7[%mul3A_2] : memref<1000000xf32, #tpu.memory_space<hbm>> -> memref<32768xf32, #tpu.memory_space<hbm>>
      %dma_wait3A_28 = tpu.memref_slice %arg7[%mul3A_2] : memref<1000000xf32, #tpu.memory_space<hbm>> -> memref<32768xf32, #tpu.memory_space<hbm>>
      tpu.wait_dma2 semaphore(%arg11 : memref<!tpu.dma_semaphore, #tpu.memory_space<semaphore_mem>>) src(%arg9 : memref<32768xf32, #tpu.memory_space<vmem>>) dst(%dma_wait3A_28 : memref<32768xf32, #tpu.memory_space<hbm>>)
    } else {
    }
    %eq3A_10 = arith.constant 30 : i32
    %eq3A_11 = arith.cmpi eq, %add3A, %eq3A_10 : i32
    %convert_element_type3A_12 = arith.extui %eq3A_11 : i1 to i32
    %cond3A_13 = arith.constant 0 : i32
    %cond3A_14 = arith.cmpi ne, %convert_element_type3A_12, %cond3A_13 : i32
    scf.if %cond3A_14 {
      %dma_start3A = arith.constant 0 : i32
      %dma_start3A_15 = tpu.memref_slice %arg8[%dma_start3A] : memref<32768xf32, #tpu.memory_space<vmem>> -> memref<16960xf32, #tpu.memory_space<vmem>>
      %dma_start3A_16 = arith.constant 983040 : i32
      %dma_start3A_17 = tpu.memref_slice %arg4[%dma_start3A_16] : memref<1000000xf32, #tpu.memory_space<hbm>> -> memref<16960xf32, #tpu.memory_space<hbm>>
      %dma_start3A_18 = arith.constant 0 : i32
      %dma_start3A_19 = tpu.memref_slice %arg8[%dma_start3A_18] : memref<32768xf32, #tpu.memory_space<vmem>> -> memref<16960xf32, #tpu.memory_space<vmem>>
      %dma_start3A_20 = arith.constant 983040 : i32
      %dma_start3A_21 = tpu.memref_slice %arg4[%dma_start3A_20] : memref<1000000xf32, #tpu.memory_space<hbm>> -> memref<16960xf32, #tpu.memory_space<hbm>>
      tpu.enqueue_dma source(%dma_start3A_21 : memref<16960xf32, #tpu.memory_space<hbm>>) target(%dma_start3A_19 : memref<16960xf32, #tpu.memory_space<vmem>>) target_semaphore(%arg10 : memref<!tpu.dma_semaphore, #tpu.memory_space<semaphore_mem>>)
      %dma_start3A_22 = arith.constant 0 : i32
      %dma_start3A_23 = tpu.memref_slice %arg9[%dma_start3A_22] : memref<32768xf32, #tpu.memory_space<vmem>> -> memref<16960xf32, #tpu.memory_space<vmem>>
      %dma_start3A_24 = arith.constant 983040 : i32
      %dma_start3A_25 = tpu.memref_slice %arg5[%dma_start3A_24] : memref<1000000xf32, #tpu.memory_space<hbm>> -> memref<16960xf32, #tpu.memory_space<hbm>>
      %dma_start3A_26 = arith.constant 0 : i32
      %dma_start3A_27 = tpu.memref_slice %arg9[%dma_start3A_26] : memref<32768xf32, #tpu.memory_space<vmem>> -> memref<16960xf32, #tpu.memory_space<vmem>>
      %dma_start3A_28 = arith.constant 983040 : i32
      %dma_start3A_29 = tpu.memref_slice %arg5[%dma_start3A_28] : memref<1000000xf32, #tpu.memory_space<hbm>> -> memref<16960xf32, #tpu.memory_space<hbm>>
      tpu.enqueue_dma source(%dma_start3A_29 : memref<16960xf32, #tpu.memory_space<hbm>>) target(%dma_start3A_27 : memref<16960xf32, #tpu.memory_space<vmem>>) target_semaphore(%arg11 : memref<!tpu.dma_semaphore, #tpu.memory_space<semaphore_mem>>)
      %dma_wait3A = arith.constant 0 : i32
      %dma_wait3A_30 = tpu.memref_slice %arg8[%dma_wait3A] : memref<32768xf32, #tpu.memory_space<vmem>> -> memref<16960xf32, #tpu.memory_space<vmem>>
      %dma_wait3A_31 = arith.constant 983040 : i32
      %dma_wait3A_32 = tpu.memref_slice %arg4[%dma_wait3A_31] : memref<1000000xf32, #tpu.memory_space<hbm>> -> memref<16960xf32, #tpu.memory_space<hbm>>
      %dma_wait3A_33 = arith.constant 0 : i32
      %dma_wait3A_34 = tpu.memref_slice %arg8[%dma_wait3A_33] : memref<32768xf32, #tpu.memory_space<vmem>> -> memref<16960xf32, #tpu.memory_space<vmem>>
      %dma_wait3A_35 = arith.constant 983040 : i32
      %dma_wait3A_36 = tpu.memref_slice %arg4[%dma_wait3A_35] : memref<1000000xf32, #tpu.memory_space<hbm>> -> memref<16960xf32, #tpu.memory_space<hbm>>
      tpu.wait_dma2 semaphore(%arg10 : memref<!tpu.dma_semaphore, #tpu.memory_space<semaphore_mem>>) src(%dma_wait3A_36 : memref<16960xf32, #tpu.memory_space<hbm>>) dst(%dma_wait3A_34 : memref<16960xf32, #tpu.memory_space<vmem>>)
      %dma_wait3A_37 = arith.constant 0 : i32
      %dma_wait3A_38 = tpu.memref_slice %arg9[%dma_wait3A_37] : memref<32768xf32, #tpu.memory_space<vmem>> -> memref<16960xf32, #tpu.memory_space<vmem>>
      %dma_wait3A_39 = arith.constant 983040 : i32
      %dma_wait3A_40 = tpu.memref_slice %arg5[%dma_wait3A_39] : memref<1000000xf32, #tpu.memory_space<hbm>> -> memref<16960xf32, #tpu.memory_space<hbm>>
      %dma_wait3A_41 = arith.constant 0 : i32
      %dma_wait3A_42 = tpu.memref_slice %arg9[%dma_wait3A_41] : memref<32768xf32, #tpu.memory_space<vmem>> -> memref<16960xf32, #tpu.memory_space<vmem>>
      %dma_wait3A_43 = arith.constant 983040 : i32
      %dma_wait3A_44 = tpu.memref_slice %arg5[%dma_wait3A_43] : memref<1000000xf32, #tpu.memory_space<hbm>> -> memref<16960xf32, #tpu.memory_space<hbm>>
      tpu.wait_dma2 semaphore(%arg11 : memref<!tpu.dma_semaphore, #tpu.memory_space<semaphore_mem>>) src(%dma_wait3A_44 : memref<16960xf32, #tpu.memory_space<hbm>>) dst(%dma_wait3A_42 : memref<16960xf32, #tpu.memory_space<vmem>>)
      %dma_start3A_45 = arith.constant 0 : i32
      %dma_start3A_46 = tpu.memref_slice %arg8[%dma_start3A_45] : memref<32768xf32, #tpu.memory_space<vmem>> -> memref<16960xf32, #tpu.memory_space<vmem>>
      %dma_start3A_47 = arith.constant 983040 : i32
      %dma_start3A_48 = tpu.memref_slice %arg6[%dma_start3A_47] : memref<1000000xf32, #tpu.memory_space<hbm>> -> memref<16960xf32, #tpu.memory_space<hbm>>
      %dma_start3A_49 = arith.constant 983040 : i32
      %dma_start3A_50 = tpu.memref_slice %arg6[%dma_start3A_49] : memref<1000000xf32, #tpu.memory_space<hbm>> -> memref<16960xf32, #tpu.memory_space<hbm>>
      %dma_start3A_51 = arith.constant 0 : i32
      %dma_start3A_52 = tpu.memref_slice %arg8[%dma_start3A_51] : memref<32768xf32, #tpu.memory_space<vmem>> -> memref<16960xf32, #tpu.memory_space<vmem>>
      tpu.enqueue_dma source(%dma_start3A_52 : memref<16960xf32, #tpu.memory_space<vmem>>) target(%dma_start3A_50 : memref<16960xf32, #tpu.memory_space<hbm>>) target_semaphore(%arg10 : memref<!tpu.dma_semaphore, #tpu.memory_space<semaphore_mem>>)
      %dma_start3A_53 = arith.constant 0 : i32
      %dma_start3A_54 = tpu.memref_slice %arg9[%dma_start3A_53] : memref<32768xf32, #tpu.memory_space<vmem>> -> memref<16960xf32, #tpu.memory_space<vmem>>
      %dma_start3A_55 = arith.constant 983040 : i32
      %dma_start3A_56 = tpu.memref_slice %arg7[%dma_start3A_55] : memref<1000000xf32, #tpu.memory_space<hbm>> -> memref<16960xf32, #tpu.memory_space<hbm>>
      %dma_start3A_57 = arith.constant 983040 : i32
      %dma_start3A_58 = tpu.memref_slice %arg7[%dma_start3A_57] : memref<1000000xf32, #tpu.memory_space<hbm>> -> memref<16960xf32, #tpu.memory_space<hbm>>
      %dma_start3A_59 = arith.constant 0 : i32
      %dma_start3A_60 = tpu.memref_slice %arg9[%dma_start3A_59] : memref<32768xf32, #tpu.memory_space<vmem>> -> memref<16960xf32, #tpu.memory_space<vmem>>
      tpu.enqueue_dma source(%dma_start3A_60 : memref<16960xf32, #tpu.memory_space<vmem>>) target(%dma_start3A_58 : memref<16960xf32, #tpu.memory_space<hbm>>) target_semaphore(%arg11 : memref<!tpu.dma_semaphore, #tpu.memory_space<semaphore_mem>>)
      %dma_wait3A_61 = arith.constant 0 : i32
      %dma_wait3A_62 = tpu.memref_slice %arg8[%dma_wait3A_61] : memref<32768xf32, #tpu.memory_space<vmem>> -> memref<16960xf32, #tpu.memory_space<vmem>>
      %dma_wait3A_63 = arith.constant 983040 : i32
      %dma_wait3A_64 = tpu.memref_slice %arg6[%dma_wait3A_63] : memref<1000000xf32, #tpu.memory_space<hbm>> -> memref<16960xf32, #tpu.memory_space<hbm>>
      %dma_wait3A_65 = arith.constant 983040 : i32
      %dma_wait3A_66 = tpu.memref_slice %arg6[%dma_wait3A_65] : memref<1000000xf32, #tpu.memory_space<hbm>> -> memref<16960xf32, #tpu.memory_space<hbm>>
      %dma_wait3A_67 = arith.constant 0 : i32
      %dma_wait3A_68 = tpu.memref_slice %arg8[%dma_wait3A_67] : memref<32768xf32, #tpu.memory_space<vmem>> -> memref<16960xf32, #tpu.memory_space<vmem>>
      tpu.wait_dma2 semaphore(%arg10 : memref<!tpu.dma_semaphore, #tpu.memory_space<semaphore_mem>>) src(%dma_wait3A_68 : memref<16960xf32, #tpu.memory_space<vmem>>) dst(%dma_wait3A_66 : memref<16960xf32, #tpu.memory_space<hbm>>)
      %dma_wait3A_69 = arith.constant 0 : i32
      %dma_wait3A_70 = tpu.memref_slice %arg9[%dma_wait3A_69] : memref<32768xf32, #tpu.memory_space<vmem>> -> memref<16960xf32, #tpu.memory_space<vmem>>
      %dma_wait3A_71 = arith.constant 983040 : i32
      %dma_wait3A_72 = tpu.memref_slice %arg7[%dma_wait3A_71] : memref<1000000xf32, #tpu.memory_space<hbm>> -> memref<16960xf32, #tpu.memory_space<hbm>>
      %dma_wait3A_73 = arith.constant 983040 : i32
      %dma_wait3A_74 = tpu.memref_slice %arg7[%dma_wait3A_73] : memref<1000000xf32, #tpu.memory_space<hbm>> -> memref<16960xf32, #tpu.memory_space<hbm>>
      %dma_wait3A_75 = arith.constant 0 : i32
      %dma_wait3A_76 = tpu.memref_slice %arg9[%dma_wait3A_75] : memref<32768xf32, #tpu.memory_space<vmem>> -> memref<16960xf32, #tpu.memory_space<vmem>>
      tpu.wait_dma2 semaphore(%arg11 : memref<!tpu.dma_semaphore, #tpu.memory_space<semaphore_mem>>) src(%dma_wait3A_76 : memref<16960xf32, #tpu.memory_space<vmem>>) dst(%dma_wait3A_74 : memref<16960xf32, #tpu.memory_space<hbm>>)
    } else {
    }
    return
  }
}

</mosaic_0001>

<sc_bundles>
// kernel: kernel.3.cloned.1.call-start
scs
__scs_entry_jumppad:
0x0: {  	(pc) =	sbr.rel $0x88, $3  }
0x1: {  	(tag) =	ssettag $0x0;
	lr =	simm.s32 $0x1  }
0x2: {  	[smem:$0x3F98] =	sst lr;
	_ =	strace $0xD0000000  }
0x3: {  	_ = 	snop  }
0x4: {  	_ = 	snop  }
0x5: {  	_ = 	snop  }
0x6: {  	_ = 	snop  }
0x7: {  	_ = 	snop  }
__scs_overlays_trampoline_lowered:
0x8: {  	[smem:$0x3FA7] =	sst s0  }
0x9: {  	[smem:$0x3FA8] =	sst s1  }
0xa: {  	[smem:$0x3FA9] =	sst s2  }
0xb: {  	[smem:$0x3FAA] =	sst s3  }
0xc: {  	[smem:$0x3FAB] =	sst s4  }
0xd: {  	[smem:$0x3FAC] =	sst s5  }
0xe: {  	[smem:$0x3FAD] =	sst s6  }
0xf: {  	[smem:$0x3FAE] =	sst s7  }
0x10: {  	[smem:$0x3FAF] =	sst s8  }
0x11: {  	[smem:$0x3FB0] =	sst s9;
	s0 =	simm.s32 @!p0 $0x0  }
0x12: {  	s1 =	sld [smem:$0x3F96];
	s0 =	simm.s32 @p0 $0x1  }
0x13: {  	[smem:$0x3FB1] =	sst s0;
	s0 =	simm.s32 @!p1 $0x0  }
0x14: {  	s2 =	sld [smem:$0x3F95];
	s0 =	simm.s32 @p1 $0x1  }
0x15: {  	[smem:$0x3FB2] =	sst s0;
	s0 =	simm.s32 @!p2 $0x0  }
0x16: {  	s3 =	sld [smem:$0x3FDB];
	s0 =	simm.s32 @p2 $0x1  }
0x17: {  	s4 =	simm.s32 $0x1BF5;
	[smem:$0x3FB4] =	sst s0  }
0x18: {  	s0 =	sld [smem:$0x3F97];
	_ =	swait.ge [sflag:s4], $0x0  }
0x19: {  	s7 =	sld [smem:$0x3F98]  }
0x1a: {  	s8 =	sadd.s32 $0xFFFFE003, lr  }
0x1b: {  	s9 =	sadd.s32 $0xFFFFFEF7, lr;
	s5 =	simm.s32 $0xFFFFFFFF;
	p2 =	slt.u32 s8, $0xFFFFF086  }
0x1c: {  	p1 =	slt.u32 s9, $0xF7A;
	s5 =	simm.s32 @!p2 $0x0  }
0x1d: {  	s5 =	simm.s32 @p1 $0x1;
	p0 =	seq.s32 s7, s2  }
0x1e: {  	s7 =	smul.u32 @!p0 $0xF7A, s2;
	p2 =	seq.s32 @!p0 s5, $0x0  }
0x1f: {  	s9 =	smul.u32 $0xF7A, s1;
	s8 =	simm.s32 @!p0 $0x1BF5;
	p2 =	por !p2, p0  }
0x20: {  	[sflag:s8] =	ssyncset.s32 @!p0 $0xFFFFF086;
	s6 =	sadd.s32 @!p0 s3, s7;
	s7 =	simm.s32 @!p0 $0x108  }
0x21: {  	s3 =	sadd.s32 s3, s9;
	s6 =	sadd.s32 @!p0 $0x88, s6;
	s7 =	simm.s32 @p2 $0x1082  }
0x22: {  	[simem:s7], [sflag:s8] =	dma.local @!p0 [hbm:s6], $0xF7A  }
0x23: {  	s9 =	sor.u32 $0xD0000000, s2;
	s6 =	simm.s32 $0x108;
	_ =	swait.ge @!p0 [sflag:s8], $0x0  }
0x24: {  	s3 =	sadd.s32 $0x88, s3;
	s6 =	simm.s32 @!p1 $0x1082;
	[sflag:s4] =	ssyncset.s32 $0xFFFFF086  }
0x25: {  	[simem:s6], [sflag:s4] =	dma.local [hbm:s3], $0xF7A  }
0x26: {  	[smem:$0x3F98] =	sst s1;
	(tag) =	ssettag s2;
	_ =	strace s9  }
0x27: {  	s1 =	sld [smem:$0x3FA8]  }
0x28: {  	s2 =	sld [smem:$0x3FA9]  }
0x29: {  	s4 =	sld [smem:$0x3FAB]  }
0x2a: {  	p0 =	seq.s32 s5, $0x0;
	s5 =	sld [smem:$0x3FAC]  }
0x2b: {  	s6 =	sld [smem:$0x3FAD]  }
0x2c: {  	s7 =	sld [smem:$0x3FAE]  }
0x2d: {  	s3 =	simm.s32 $0x108;
	s8 =	sld [smem:$0x3FAF]  }
0x2e: {  	s3 =	simm.s32 @!p0 $0x1082;
	s9 =	sld [smem:$0x3FB0]  }
0x2f: {  	lr =	sadd.s32 s0, s3;
	s0 =	sld [smem:$0x3FA7]  }
0x30: {  	s3 =	sld [smem:$0x3FAA]  }
0x31: {  	[smem:$0x3FB3] =	sst s10  }
0x32: {  	s10 =	sld [smem:$0x3FB1];
	_ =	sdelay $0x3  }
0x33: {  	p0 =	seq.s32 s10, $0x1;
	s10 =	sld [smem:$0x3FB3];
	_ =	sdelay $0x3  }
0x34: {  	[smem:$0x3FB3] =	sst s10  }
0x35: {  	s10 =	sld [smem:$0x3FB2];
	_ =	sdelay $0x3  }
0x36: {  	p1 =	seq.s32 s10, $0x1;
	s10 =	sld [smem:$0x3FB3];
	_ =	sdelay $0x3  }
0x37: {  	[smem:$0x3FB3] =	sst s10  }
0x38: {  	s10 =	sld [smem:$0x3FB4]  }
0x39: {  	_ = 	snop;
	(pc) =	sbr.ind lr, $3  }
0x3a: {  	_ = 	snop  }
0x3b: {  	_ = 	snop  }
0x3c: {  	p2 =	seq.s32 s10, $0x1;
	s10 =	sld [smem:$0x3FB3]  }
0x3d: {  	_ =	shalt  }
0x3e: {  	_ =	shalt  }
0x3f: {  	_ =	shalt  }
0x40: {  	_ =	shalt  }
0x41: {  	_ =	shalt  }
0x42: {  	_ =	shalt  }
0x43: {  	_ =	shalt  }
0x44: {  	_ =	shalt  }
0x45: {  	_ =	shalt  }
0x46: {  	_ =	shalt  }
0x47: {  	_ =	shalt  }
0x48: {  	_ =	shalt  }
0x49: {  	_ =	shalt  }
0x4a: {  	_ =	shalt  }
0x4b: {  	_ =	shalt  }
0x4c: {  	_ =	shalt  }
0x4d: {  	_ =	shalt  }
0x4e: {  	_ =	shalt  }
0x4f: {  	_ =	shalt  }
0x50: {  	_ =	shalt  }
0x51: {  	_ =	shalt  }
0x52: {  	_ =	shalt  }
0x53: {  	_ =	shalt  }
0x54: {  	_ =	shalt  }
0x55: {  	_ =	shalt  }
0x56: {  	_ =	shalt  }
0x57: {  	_ =	shalt  }
0x58: {  	_ =	shalt  }
0x59: {  	_ =	shalt  }
0x5a: {  	_ =	shalt  }
0x5b: {  	_ =	shalt  }
0x5c: {  	_ =	shalt  }
0x5d: {  	_ =	shalt  }
0x5e: {  	_ =	shalt  }
0x5f: {  	_ =	shalt  }
0x60: {  	_ =	shalt  }
0x61: {  	_ =	shalt  }
0x62: {  	_ =	shalt  }
0x63: {  	_ =	shalt  }
0x64: {  	_ =	shalt  }
0x65: {  	_ =	shalt  }
0x66: {  	_ =	shalt  }
0x67: {  	_ =	shalt  }
0x68: {  	_ =	shalt  }
0x69: {  	_ =	shalt  }
0x6a: {  	_ =	shalt  }
0x6b: {  	_ =	shalt  }
0x6c: {  	_ =	shalt  }
0x6d: {  	_ =	shalt  }
0x6e: {  	_ =	shalt  }
0x6f: {  	_ =	shalt  }
0x70: {  	_ =	shalt  }
0x71: {  	_ =	shalt  }
0x72: {  	_ =	shalt  }
0x73: {  	_ =	shalt  }
0x74: {  	_ =	shalt  }
0x75: {  	_ =	shalt  }
0x76: {  	_ =	shalt  }
0x77: {  	_ =	shalt  }
0x78: {  	_ =	shalt  }
0x79: {  	_ =	shalt  }
0x7a: {  	_ =	shalt  }
0x7b: {  	_ =	shalt  }
0x7c: {  	_ =	shalt  }
0x7d: {  	_ =	shalt  }
0x7e: {  	_ =	shalt  }
0x7f: {  	_ =	shalt  }
0x80: {  	_ =	shalt  }
0x81: {  	_ =	shalt  }
0x82: {  	_ =	shalt  }
0x83: {  	_ =	shalt  }
0x84: {  	_ =	shalt  }
0x85: {  	_ =	shalt  }
0x86: {  	_ =	shalt  }
0x87: {  	_ =	shalt  }
.Lfunc_end0:
.L_simem_size_0:
called_computation_lowered:
.L_overlay_start_0:
0x88: {  	s2 =	sld [smem:$0x3FD9]  }
0x89: {  	s3 =	sld [smem:$0x3FFE];
	_ =	sdelay $0x1  }
0x8a: {  	s1 =	srdreg.scid  }
0x8b: {  	s0 =	sand.u32 $0x1, s1  }
0x8c: {  	s15 =	sshll.u32 s0, $0xA;
	s2 =	sadd.s32 s3, s2  }
0x8d: {  	s2 =	sadd.s32 s2, s15  }
0x8e: {  	[smem:$0x3FBF] =	sst s2  }
0x8f: {  	_ = 	snop  }
0x90: {  	s2 =	sld [smem:$0x3FC7]  }
0x91: {  	s16 =	sld [smem:$0x3FD0]  }
0x92: {  	s4 =	sld [smem:$0x3FC6]  }
0x93: {  	s5 =	sld [smem:$0x3FC5]  }
0x94: {  	s7 =	simm.s32 $0xA;
	s8 =	simm.s32 $0x10;
	s6 =	sld [smem:$0x3FC4]  }
0x95: {  	[smem:s8], [sflag:s7] =	dma.local [hbm:s16], $0x1  }
0x96: {  	_ =	swait.eq [sflag:s7], $0x1  }
0x97: {  	[sflag:s7] =	ssyncset.done $0x0  }
0x98: {  	s17 =	sld [smem:$0x10];
	[sflag:s7] =	ssyncadd.s32 $0xFFFFFFFF  }
0x99: {  	s18 =	sld [smem:$0x11];
	(tm) =	ssettm $0x1  }
0x9a: {  	s19 =	sld [smem:$0x3FFB];
	_ =	sdelay $0x3  }
0x9b: {  	_ =	strace s19  }
0x9c: {  	s8 =	sld [smem:$0x3FFC];
	_ =	sdelay $0x3  }
0x9d: {  	_ =	strace s8  }
0x9e: {  	s8 =	sld [smem:$0x3FFD];
	_ =	sdelay $0x3  }
0x9f: {  	_ =	strace s8  }
0xa0: {  	_ =	strace $0x8FFFFFFF  }
0xa1: {  	s20 =	sld [smem:$0x3FDB];
	_ =	sdelay $0x1  }
0xa2: {  	s9 =	simm.s32 $_scs_section_size  }
0xa3: {  	s10 =	simm.s32 $_size__tile_overlayer_lowered;
	s11 =	simm.s32 $_tile_overlayer_lowered  }
0xa4: {  	s23 =	simm.s32 $0x1BFF;
	s22 =	sshll.u32 s11, $0x1;
	s8 =	sadd.s32 s9, s20  }
0xa5: {  	s12 =	simm.s32 $0x0;
	s21 =	sshll.u32 s10, $0x1;
	s10 =	sadd.s32 s22, s8  }
0xa6: {  	[timem:s12], [sflag:s23] =	dma.local [hbm:s10], s21  }
0xa7: {  	_ =	swait.ge [sflag:s23], s21  }
0xa8: {  	s9 =	ssub.s32 $0x0, s21;
	[sflag:s23] =	ssyncset.done $0x0  }
0xa9: {  	[sflag:s23] =	ssyncadd.s32 s9;
	_ =	sdelay $0x1  }
0xaa: {  	s24 =	simm.s32 $0x1B8B  }
0xab: {  	_ =	swait.ge [sflag:s24], $0x1  }
0xac: {  	[sflag:s24] =	ssyncset.done $0x0  }
0xad: {  	s25 =	simm.s32 $0x1B8E;
	[sflag:s24] =	ssyncadd.s32 $0xFFFFFFFF  }
0xae: {  	s26 =	simm.s32 $execute0_lowered;
	[smem:$0x3FD2] =	sst s25  }
0xaf: {  	s9 =	sshll.u32 s26, $0x1;
	_ =	strace $0x80000046;
	[dreg:$0x1] =	wrdreg $0xFFFFFFFF  }
0xb0: {  	s28 =	simm.s32 $_size_execute0_lowered;
	s8 =	sadd.s32 s8, s9;
	[dreg:$0x0] =	wrdreg $0x0  }
0xb1: {  	s9 =	sshll.u32 s28, $0x1;
	[dreg:$0x2] =	wrdreg s8  }
0xb2: {  	[dreg:$0x3] =	wrdreg s9  }
0xb3: {  	[dreg:$0x4] =	wrdreg $0xC0  }
0xb4: {  	_ =	task [dreg:s12], $0x5FFFF  }
0xb5: {  	[dreg:$0x1] =	wrdreg $0xFFFFFFFF  }
0xb6: {  	[dreg:$0x0] =	wrdreg $0x60  }
0xb7: {  	[dreg:$0x2] =	wrdreg s2  }
0xb8: {  	[dreg:$0x3] =	wrdreg s4  }
0xb9: {  	[dreg:$0x4] =	wrdreg s5  }
0xba: {  	[dreg:$0x5] =	wrdreg s6  }
0xbb: {  	[dreg:$0x6] =	wrdreg s17  }
0xbc: {  	[dreg:$0x7] =	wrdreg s18  }
0xbd: {  	[dreg:$0x8] =	wrdreg $0x9  }
0xbe: {  	_ =	task.clear_ibuf [dreg:s12], $0x9FFFF;
	_ =	strace $0x90000046  }
0xbf: {  	s29 =	simm.s32 $0x9;
	_ =	strace $0x80000048  }
0xc0: {  	_ =	swait.ge [sflag:s29], $0x1  }
0xc1: {  	[sflag:s29] =	ssyncadd.s32 $0xFFFFFFFF  }
0xc2: {  	_ =	strace $0x90000048  }
0xc3: {  	_ =	sfence  }
0xc4: {  	s30 =	sld [smem:$0x0];
	_ =	sdelay $0x2  }
0xc5: {  	s31 =	sshll.u32 s1, $0xD;
	s1 =	sshrl.u32 s1, $0x2  }
0xc6: {  	s3 =	sand.u32 $0x4000, s31;
	s1 =	sadd.s32 s1, s30  }
0xc7: {  	s0 =	sor.u32 s3, s0;
	s1 =	sshll.u32 s1, $0x11  }
0xc8: {  	s0 =	sor.u32 s1, s0  }
0xc9: {  	s0 =	sadd.s32 $0x8F2B, s0  }
0xca: {  	[sflag:s0] =	ssyncadd.remote.s32 $0x1  }
0xcb: {  	_ =	sfence.sel $0xFFFF  }
0xcc: {  	[dreg:$0x0] =	wrdreg $0xFFFFFFFF;
	(pc) =	sbr.abs _section_cstart, $3  }
0xcd: {  	[dreg:$0x1] =	wrdreg $0xFFFFFFFF  }
0xce: {  	_ =	task.clear_ibuf [dreg:s12], $0x2FFFF;
	_ =	strace $0x9FFFFFFF  }
0xcf: {  	(tm) =	ssettm $0x7FFFFFFF  }
tec
execute0_lowered:
.L_overlay_start_1:
0x0: {  	(tag) =	ssettag $0x1  }
0x1: {  	s5 =	rddreg [dreg:$0x0]  }
0x2: {  	s4 =	rddreg [dreg:$0x1]  }
0x3: {  	s0 =	rddreg [dreg:$0x2]  }
0x4: {  	s1 =	srdreg.scid;
	s18 =	stileid.u32  }
0x5: {  	s7 =	rddreg [dreg:$0x3];
	s1 =	sand.u32 $0x1, s1;
	s9 =	sshll.u32 s18, $0x1  }
0x6: {  	s2 =	rddreg [dreg:$0x4];
	s8 =	ssub.s32 $0x2, s1;
	s1 =	sor.u32 s1, s9  }
0x7: {  	s6 =	simm.s32 $0x0;
	s31 =	sshrl.u32 s8, $0x1;
	p0 =	sne.s32 s1, $0x0  }
0x8: {  	[smem:$0x7FF] =	sst s6;
	s6 =	ssub.s32 s8, s31;
	p1 =	seq.s32 @p0 s18, $0xF  }
0x9: {  	s3 =	rddreg [dreg:$0x5];
	s16 =	smax.u32 s6, $0x1;
	p2 =	por !p1, !p0  }
0xa: {  	s9 =	sshll.u32 s1, $0xC;
	p2 =	sne.s32 @!p2 s1, $0x1E;
	s1 =	sadd.s32 $0xFFFFFFFF, s16  }
0xb: {  	s17 =	rddreg [dreg:$0x6];
	p3 =	por $0x0, $0x0;
	p4 =	sne.s32 s1, $0x0  }
.Ltmp0:
0xc: {  	s15 =	sadd.s32 $0x1E000, s0;
	s14 =	sadd.s32 $0x1E000, s7;
	(pc) =	sbr.rel @!p4 .LBB2_5-.Ltmp0, $4  }
0xd: {  	s12 =	sadd.s32 $0x1E000, s2;
	s13 =	sadd.s32 $0x1E000, s3;
	_ =	strace $0x80000047  }
0xe: {  	s11 =	sadd.s32 s0, s9;
	s10 =	sadd.s32 s7, s9;
	s8 =	sadd.s32 s2, s9  }
0xf: {  	s9 =	sadd.s32 s3, s9;
	s7 =	sadd.s32 $0x800, s7;
	p2 =	por @p0 p2, !p1  }
0x10: {  	s6 =	sadd.s32 $0x800, s0;
	p1 =	por p1, !p0;
	p2 =	por p2, !p0  }
0x11: {  	s16 =	simm.s32 @!p2 $0x0  }
0x12: {  	[tilespmem:s16], [sflag:$0x1] =	stream.linear.gather @!p2 [hbm4b:s15+s16], $0x4240, $0x38;
	[tilespmem:$0x10000] =	vst v63  }
0x13: {  	s17 =	simm.s32 @!p2 $0x8000;
	s18 =	simm.s32 @!p2 $0x1  }
0x14: {  	[tilespmem:s17], [sflag:$0x2] =	stream.linear.gather @!p2 [hbm4b:s14+s16], $0x4240, $0x38;
	[tilespmem:$0x10000] =	vst v63  }
0x15: {  	_ =	swait.ge @!p2 [sflag:s18], $0x4240  }
0x16: {  	[sflag:s18] =	ssyncset.done @!p2 $0x0  }
0x17: {  	s19 =	simm.s32 @!p2 $0x2;
	[sflag:s18] =	ssyncadd.s32 @!p2 $0xFFFFBDC0  }
0x18: {  	_ =	swait.ge @!p2 [sflag:s19], $0x4240  }
0x19: {  	[sflag:s19] =	ssyncset.done @!p2 $0x0  }
0x1a: {  	[sflag:s19] =	ssyncadd.s32 @!p2 $0xFFFFBDC0  }
0x1b: {  	[hbm4b:s12+s16] =	stream.linear.scatter @!p2 [tilespmem:s16], [sflag:$0x1], $0x4240, $0x38;
	[tilespmem:$0x10000] =	vst v63  }
0x1c: {  	_ = 	snop  }
0x1d: {  	[hbm4b:s13+s16] =	stream.linear.scatter @!p2 [tilespmem:s17], [sflag:$0x2], $0x4240, $0x38;
	[tilespmem:$0x10000] =	vst v63  }
0x1e: {  	_ =	swait.ge @!p2 [sflag:s18], $0x4240  }
0x1f: {  	[sflag:s18] =	ssyncset.done @!p2 $0x0  }
0x20: {  	[sflag:s18] =	ssyncadd.s32 @!p2 $0xFFFFBDC0  }
0x21: {  	_ =	swait.ge @!p2 [sflag:s19], $0x4240  }
0x22: {  	[sflag:s19] =	ssyncset.done @!p2 $0x0  }
0x23: {  	s20 =	simm.s32 @!p1 $0x0;
	[sflag:s19] =	ssyncadd.s32 @!p2 $0xFFFFBDC0  }
0x24: {  	[tilespmem:s20], [sflag:$0x1] =	stream.linear.gather @!p1 [hbm4b:s11+s20], $0x8000, $0x38;
	[tilespmem:$0x10000] =	vst v63  }
0x25: {  	s21 =	simm.s32 @!p1 $0x8000;
	s22 =	simm.s32 @!p1 $0x1  }
0x26: {  	[tilespmem:s21], [sflag:$0x2] =	stream.linear.gather @!p1 [hbm4b:s10+s20], $0x8000, $0x38;
	[tilespmem:$0x10000] =	vst v63  }
0x27: {  	_ =	swait.ge @!p1 [sflag:s22], $0x8000  }
0x28: {  	[sflag:s22] =	ssyncset.done @!p1 $0x0  }
0x29: {  	s23 =	simm.s32 @!p1 $0x2;
	[sflag:s22] =	ssyncadd.s32 @!p1 $0xFFFF8000  }
0x2a: {  	_ =	swait.ge @!p1 [sflag:s23], $0x8000  }
0x2b: {  	[sflag:s23] =	ssyncset.done @!p1 $0x0  }
0x2c: {  	[sflag:s23] =	ssyncadd.s32 @!p1 $0xFFFF8000  }
0x2d: {  	[hbm4b:s8+s20] =	stream.linear.scatter @!p1 [tilespmem:s20], [sflag:$0x1], $0x8000, $0x38;
	[tilespmem:$0x10000] =	vst v63  }
0x2e: {  	_ = 	snop  }
0x2f: {  	[hbm4b:s9+s20] =	stream.linear.scatter @!p1 [tilespmem:s21], [sflag:$0x2], $0x8000, $0x38;
	[tilespmem:$0x10000] =	vst v63  }
0x30: {  	_ =	swait.ge @!p1 [sflag:s22], $0x8000  }
0x31: {  	[sflag:s22] =	ssyncset.done @!p1 $0x0  }
0x32: {  	[sflag:s22] =	ssyncadd.s32 @!p1 $0xFFFF8000  }
0x33: {  	_ =	swait.ge @!p1 [sflag:s23], $0x8000  }
0x34: {  	[sflag:s23] =	ssyncset.done @!p1 $0x0  }
0x35: {  	s24 =	simm.s32 @!p0 $0x0;
	[sflag:s23] =	ssyncadd.s32 @!p1 $0xFFFF8000  }
0x36: {  	[tilespmem:s24], [sflag:$0x1] =	stream.linear.gather @!p0 [hbm4b:s5+s24], $0x4000, $0x38;
	[tilespmem:$0x10000] =	vst v63  }
0x37: {  	s25 =	simm.s32 @!p0 $0x8000  }
0x38: {  	[tilespmem:s25], [sflag:$0x2] =	stream.linear.gather @!p0 [hbm4b:s4+s24], $0x4000, $0x38;
	[tilespmem:$0x10000] =	vst v63  }
0x39: {  	s28 =	simm.s32 @!p0 $0x4000  }
0x3a: {  	[tilespmem:s28], [sflag:$0x3] =	stream.linear.gather @!p0 [hbm4b:s6+s24], $0x4000, $0x38;
	[tilespmem:$0x10000] =	vst v63  }
0x3b: {  	s29 =	simm.s32 @!p0 $0xC000;
	s30 =	simm.s32 @!p0 $0x1  }
0x3c: {  	[tilespmem:s29], [sflag:$0x4] =	stream.linear.gather @!p0 [hbm4b:s7+s24], $0x4000, $0x38;
	[tilespmem:$0x10000] =	vst v63  }
0x3d: {  	_ =	swait.ge @!p0 [sflag:s30], $0x4000  }
0x3e: {  	[sflag:s30] =	ssyncset.done @!p0 $0x0  }
0x3f: {  	s26 =	simm.s32 @!p0 $0x2;
	[sflag:s30] =	ssyncadd.s32 @!p0 $0xFFFFC000  }
0x40: {  	_ =	swait.ge @!p0 [sflag:s26], $0x4000  }
0x41: {  	[sflag:s26] =	ssyncset.done @!p0 $0x0  }
0x42: {  	s31 =	simm.s32 @!p0 $0x3;
	[sflag:s26] =	ssyncadd.s32 @!p0 $0xFFFFC000  }
0x43: {  	_ =	swait.ge @!p0 [sflag:s31], $0x4000  }
0x44: {  	[sflag:s31] =	ssyncset.done @!p0 $0x0  }
0x45: {  	s0 =	simm.s32 @!p0 $0x4;
	[sflag:s31] =	ssyncadd.s32 @!p0 $0xFFFFC000  }
0x46: {  	_ =	swait.ge @!p0 [sflag:s0], $0x4000  }
0x47: {  	[sflag:s0] =	ssyncset.done @!p0 $0x0  }
0x48: {  	s1 =	sadd.s32 $0xFFFFFFFF, s1;
	[sflag:s0] =	ssyncadd.s32 @!p0 $0xFFFFC000  }
0x49: {  	[hbm4b:s2+s24] =	stream.linear.scatter @!p0 [tilespmem:s24], [sflag:$0x1], $0x8000, $0x38;
	[tilespmem:$0x10000] =	vst v63  }
0x4a: {  	p4 =	sne.s32 s1, $0x0  }
0x4b: {  	[hbm4b:s3+s24] =	stream.linear.scatter @!p0 [tilespmem:s25], [sflag:$0x2], $0x8000, $0x38;
	[tilespmem:$0x10000] =	vst v63  }
.Ltmp1:
0x4c: {  	_ =	swait.ge @!p0 [sflag:s30], $0x8000;
	(pc) =	sbr.rel @!p4 .LBB2_2-.Ltmp1, $4  }
0x4d: {  	[sflag:s30] =	ssyncset.done @!p0 $0x0  }
0x4e: {  	[sflag:s30] =	ssyncadd.s32 @!p0 $0xFFFF8000  }
0x4f: {  	_ =	swait.ge @!p0 [sflag:s26], $0x8000  }
0x50: {  	p3 =	por $0x1, $0x1;
	[sflag:s26] =	ssyncset.done @!p0 $0x0  }
.LBB2_3:
0x51: {  	s1 =	sadd.s32 $0xFFFFFFFF, s1;
	[sflag:s26] =	ssyncadd.s32 @!p0 $0xFFFF8000  }
0x52: {  	[tilespmem:s16], [sflag:$0x1] =	stream.linear.gather @!p2 [hbm4b:s15+s16], $0x4240, $0x38;
	[tilespmem:$0x10000] =	vst v63  }
0x53: {  	p4 =	sne.s32 s1, $0x0  }
0x54: {  	[tilespmem:s17], [sflag:$0x2] =	stream.linear.gather @!p2 [hbm4b:s14+s16], $0x4240, $0x38;
	[tilespmem:$0x10000] =	vst v63  }
0x55: {  	_ =	swait.ge @!p2 [sflag:s18], $0x4240  }
0x56: {  	[sflag:s18] =	ssyncset.done @!p2 $0x0  }
0x57: {  	[sflag:s18] =	ssyncadd.s32 @!p2 $0xFFFFBDC0  }
0x58: {  	_ =	swait.ge @!p2 [sflag:s19], $0x4240  }
0x59: {  	[sflag:s19] =	ssyncset.done @!p2 $0x0  }
0x5a: {  	[sflag:s19] =	ssyncadd.s32 @!p2 $0xFFFFBDC0  }
0x5b: {  	[hbm4b:s12+s16] =	stream.linear.scatter @!p2 [tilespmem:s16], [sflag:$0x1], $0x4240, $0x38;
	[tilespmem:$0x10000] =	vst v63  }
0x5c: {  	_ = 	snop  }
0x5d: {  	[hbm4b:s13+s16] =	stream.linear.scatter @!p2 [tilespmem:s17], [sflag:$0x2], $0x4240, $0x38;
	[tilespmem:$0x10000] =	vst v63  }
0x5e: {  	_ =	swait.ge @!p2 [sflag:s18], $0x4240  }
0x5f: {  	[sflag:s18] =	ssyncset.done @!p2 $0x0  }
0x60: {  	[sflag:s18] =	ssyncadd.s32 @!p2 $0xFFFFBDC0  }
0x61: {  	_ =	swait.ge @!p2 [sflag:s19], $0x4240  }
0x62: {  	[sflag:s19] =	ssyncset.done @!p2 $0x0  }
0x63: {  	[sflag:s19] =	ssyncadd.s32 @!p2 $0xFFFFBDC0  }
0x64: {  	[tilespmem:s20], [sflag:$0x1] =	stream.linear.gather @!p1 [hbm4b:s11+s20], $0x8000, $0x38;
	[tilespmem:$0x10000] =	vst v63  }
0x65: {  	_ = 	snop  }
0x66: {  	[tilespmem:s21], [sflag:$0x2] =	stream.linear.gather @!p1 [hbm4b:s10+s20], $0x8000, $0x38;
	[tilespmem:$0x10000] =	vst v63  }
0x67: {  	_ =	swait.ge @!p1 [sflag:s22], $0x8000  }
0x68: {  	[sflag:s22] =	ssyncset.done @!p1 $0x0  }
0x69: {  	[sflag:s22] =	ssyncadd.s32 @!p1 $0xFFFF8000  }
0x6a: {  	_ =	swait.ge @!p1 [sflag:s23], $0x8000  }
0x6b: {  	[sflag:s23] =	ssyncset.done @!p1 $0x0  }
0x6c: {  	[sflag:s23] =	ssyncadd.s32 @!p1 $0xFFFF8000  }
0x6d: {  	[hbm4b:s8+s20] =	stream.linear.scatter @!p1 [tilespmem:s20], [sflag:$0x1], $0x8000, $0x38;
	[tilespmem:$0x10000] =	vst v63  }
0x6e: {  	_ = 	snop  }
0x6f: {  	[hbm4b:s9+s20] =	stream.linear.scatter @!p1 [tilespmem:s21], [sflag:$0x2], $0x8000, $0x38;
	[tilespmem:$0x10000] =	vst v63  }
0x70: {  	_ =	swait.ge @!p1 [sflag:s22], $0x8000  }
0x71: {  	[sflag:s22] =	ssyncset.done @!p1 $0x0  }
0x72: {  	[sflag:s22] =	ssyncadd.s32 @!p1 $0xFFFF8000  }
0x73: {  	_ =	swait.ge @!p1 [sflag:s23], $0x8000  }
0x74: {  	[sflag:s23] =	ssyncset.done @!p1 $0x0  }
0x75: {  	[sflag:s23] =	ssyncadd.s32 @!p1 $0xFFFF8000  }
0x76: {  	[tilespmem:s24], [sflag:$0x1] =	stream.linear.gather @!p0 [hbm4b:s5+s24], $0x4000, $0x38;
	[tilespmem:$0x10000] =	vst v63  }
0x77: {  	_ = 	snop  }
0x78: {  	[tilespmem:s25], [sflag:$0x2] =	stream.linear.gather @!p0 [hbm4b:s4+s24], $0x4000, $0x38;
	[tilespmem:$0x10000] =	vst v63  }
0x79: {  	_ = 	snop  }
0x7a: {  	[tilespmem:s28], [sflag:$0x3] =	stream.linear.gather @!p0 [hbm4b:s6+s24], $0x4000, $0x38;
	[tilespmem:$0x10000] =	vst v63  }
0x7b: {  	_ = 	snop  }
0x7c: {  	[tilespmem:s29], [sflag:$0x4] =	stream.linear.gather @!p0 [hbm4b:s7+s24], $0x4000, $0x38;
	[tilespmem:$0x10000] =	vst v63  }
0x7d: {  	_ =	swait.ge @!p0 [sflag:s30], $0x4000  }
0x7e: {  	[sflag:s30] =	ssyncset.done @!p0 $0x0  }
0x7f: {  	[sflag:s30] =	ssyncadd.s32 @!p0 $0xFFFFC000  }
0x80: {  	_ =	swait.ge @!p0 [sflag:s26], $0x4000  }
0x81: {  	[sflag:s26] =	ssyncset.done @!p0 $0x0  }
0x82: {  	[sflag:s26] =	ssyncadd.s32 @!p0 $0xFFFFC000  }
0x83: {  	_ =	swait.ge @!p0 [sflag:s31], $0x4000  }
0x84: {  	[sflag:s31] =	ssyncset.done @!p0 $0x0  }
0x85: {  	[sflag:s31] =	ssyncadd.s32 @!p0 $0xFFFFC000  }
0x86: {  	_ =	swait.ge @!p0 [sflag:s0], $0x4000  }
0x87: {  	[sflag:s0] =	ssyncset.done @!p0 $0x0  }
0x88: {  	[sflag:s0] =	ssyncadd.s32 @!p0 $0xFFFFC000  }
0x89: {  	[hbm4b:s2+s24] =	stream.linear.scatter @!p0 [tilespmem:s24], [sflag:$0x1], $0x8000, $0x38;
	[tilespmem:$0x10000] =	vst v63  }
0x8a: {  	_ = 	snop  }
0x8b: {  	[hbm4b:s3+s24] =	stream.linear.scatter @!p0 [tilespmem:s25], [sflag:$0x2], $0x8000, $0x38;
	[tilespmem:$0x10000] =	vst v63  }
.Ltmp2:
0x8c: {  	_ =	swait.ge @!p0 [sflag:s30], $0x8000;
	(pc) =	sbr.rel @p4 .LBB2_3-.Ltmp2, $4  }
0x8d: {  	[sflag:s30] =	ssyncset.done @!p0 $0x0  }
0x8e: {  	[sflag:s30] =	ssyncadd.s32 @!p0 $0xFFFF8000  }
0x8f: {  	_ =	swait.ge @!p0 [sflag:s26], $0x8000  }
0x90: {  	[sflag:s26] =	ssyncset.done @!p0 $0x0  }
0x91: {  	s17 =	rddreg [dreg:$0x6];
	s18 =	stileid.u32  }
.LBB2_5:
0x92: {  	p3 =	por p0, !p3  }
0x93: {  	s0 =	simm.s32 @!p2 $0x0;
	[sflag:s26] =	ssyncadd.s32 @!p3 $0xFFFF8000  }
0x94: {  	[tilespmem:s0], [sflag:$0x1] =	stream.linear.gather @!p2 [hbm4b:s15+s0], $0x4240, $0x38;
	[tilespmem:$0x10000] =	vst v63  }
0x95: {  	s1 =	simm.s32 @!p2 $0x8000;
	s15 =	simm.s32 @!p2 $0x1  }
0x96: {  	[tilespmem:s1], [sflag:$0x2] =	stream.linear.gather @!p2 [hbm4b:s14+s0], $0x4240, $0x38;
	[tilespmem:$0x10000] =	vst v63  }
0x97: {  	_ =	swait.ge @!p2 [sflag:s15], $0x4240  }
0x98: {  	[sflag:s15] =	ssyncset.done @!p2 $0x0  }
0x99: {  	s14 =	simm.s32 @!p2 $0x2;
	[sflag:s15] =	ssyncadd.s32 @!p2 $0xFFFFBDC0  }
0x9a: {  	_ =	swait.ge @!p2 [sflag:s14], $0x4240  }
0x9b: {  	[sflag:s14] =	ssyncset.done @!p2 $0x0  }
0x9c: {  	[sflag:s14] =	ssyncadd.s32 @!p2 $0xFFFFBDC0  }
0x9d: {  	[hbm4b:s12+s0] =	stream.linear.scatter @!p2 [tilespmem:s0], [sflag:$0x1], $0x4240, $0x38;
	[tilespmem:$0x10000] =	vst v63  }
0x9e: {  	_ = 	snop  }
0x9f: {  	[hbm4b:s13+s0] =	stream.linear.scatter @!p2 [tilespmem:s1], [sflag:$0x2], $0x4240, $0x38;
	[tilespmem:$0x10000] =	vst v63  }
0xa0: {  	_ =	swait.ge @!p2 [sflag:s15], $0x4240  }
0xa1: {  	[sflag:s15] =	ssyncset.done @!p2 $0x0  }
0xa2: {  	[sflag:s15] =	ssyncadd.s32 @!p2 $0xFFFFBDC0  }
0xa3: {  	_ =	swait.ge @!p2 [sflag:s14], $0x4240  }
0xa4: {  	[sflag:s14] =	ssyncset.done @!p2 $0x0  }
0xa5: {  	s0 =	simm.s32 @!p1 $0x0;
	[sflag:s14] =	ssyncadd.s32 @!p2 $0xFFFFBDC0  }
0xa6: {  	[tilespmem:s0], [sflag:$0x1] =	stream.linear.gather @!p1 [hbm4b:s11+s0], $0x8000, $0x38;
	[tilespmem:$0x10000] =	vst v63  }
0xa7: {  	s1 =	simm.s32 @!p1 $0x8000;
	s11 =	simm.s32 @!p1 $0x1  }
0xa8: {  	[tilespmem:s1], [sflag:$0x2] =	stream.linear.gather @!p1 [hbm4b:s10+s0], $0x8000, $0x38;
	[tilespmem:$0x10000] =	vst v63  }
0xa9: {  	_ =	swait.ge @!p1 [sflag:s11], $0x8000  }
0xaa: {  	[sflag:s11] =	ssyncset.done @!p1 $0x0  }
0xab: {  	s10 =	simm.s32 @!p1 $0x2;
	[sflag:s11] =	ssyncadd.s32 @!p1 $0xFFFF8000  }
0xac: {  	_ =	swait.ge @!p1 [sflag:s10], $0x8000  }
0xad: {  	[sflag:s10] =	ssyncset.done @!p1 $0x0  }
0xae: {  	[sflag:s10] =	ssyncadd.s32 @!p1 $0xFFFF8000  }
0xaf: {  	[hbm4b:s8+s0] =	stream.linear.scatter @!p1 [tilespmem:s0], [sflag:$0x1], $0x8000, $0x38;
	[tilespmem:$0x10000] =	vst v63  }
0xb0: {  	_ = 	snop  }
0xb1: {  	[hbm4b:s9+s0] =	stream.linear.scatter @!p1 [tilespmem:s1], [sflag:$0x2], $0x8000, $0x38;
	[tilespmem:$0x10000] =	vst v63  }
0xb2: {  	_ =	swait.ge @!p1 [sflag:s11], $0x8000  }
0xb3: {  	[sflag:s11] =	ssyncset.done @!p1 $0x0  }
0xb4: {  	[sflag:s11] =	ssyncadd.s32 @!p1 $0xFFFF8000  }
0xb5: {  	_ =	swait.ge @!p1 [sflag:s10], $0x8000  }
0xb6: {  	[sflag:s10] =	ssyncset.done @!p1 $0x0  }
0xb7: {  	s0 =	simm.s32 @!p0 $0x0;
	[sflag:s10] =	ssyncadd.s32 @!p1 $0xFFFF8000  }
0xb8: {  	[tilespmem:s0], [sflag:$0x1] =	stream.linear.gather @!p0 [hbm4b:s5+s0], $0x4000, $0x38;
	[tilespmem:$0x10000] =	vst v63  }
0xb9: {  	s1 =	simm.s32 @!p0 $0x8000  }
0xba: {  	[tilespmem:s1], [sflag:$0x2] =	stream.linear.gather @!p0 [hbm4b:s4+s0], $0x4000, $0x38;
	[tilespmem:$0x10000] =	vst v63  }
0xbb: {  	s4 =	simm.s32 @!p0 $0x4000  }
0xbc: {  	[tilespmem:s4], [sflag:$0x3] =	stream.linear.gather @!p0 [hbm4b:s6+s0], $0x4000, $0x38;
	[tilespmem:$0x10000] =	vst v63  }
0xbd: {  	s5 =	simm.s32 @!p0 $0x1;
	s4 =	simm.s32 @!p0 $0xC000  }
0xbe: {  	[tilespmem:s4], [sflag:$0x4] =	stream.linear.gather @!p0 [hbm4b:s7+s0], $0x4000, $0x38;
	[tilespmem:$0x10000] =	vst v63  }
0xbf: {  	_ =	swait.ge @!p0 [sflag:s5], $0x4000  }
0xc0: {  	[sflag:s5] =	ssyncset.done @!p0 $0x0  }
0xc1: {  	s4 =	simm.s32 @!p0 $0x2;
	[sflag:s5] =	ssyncadd.s32 @!p0 $0xFFFFC000  }
0xc2: {  	_ =	swait.ge @!p0 [sflag:s4], $0x4000  }
0xc3: {  	[sflag:s4] =	ssyncset.done @!p0 $0x0  }
0xc4: {  	s6 =	simm.s32 @!p0 $0x3;
	[sflag:s4] =	ssyncadd.s32 @!p0 $0xFFFFC000  }
0xc5: {  	_ =	swait.ge @!p0 [sflag:s6], $0x4000  }
0xc6: {  	[sflag:s6] =	ssyncset.done @!p0 $0x0  }
0xc7: {  	[sflag:s6] =	ssyncadd.s32 @!p0 $0xFFFFC000;
	s6 =	simm.s32 @!p0 $0x4  }
0xc8: {  	_ =	swait.ge @!p0 [sflag:s6], $0x4000  }
0xc9: {  	[sflag:s6] =	ssyncset.done @!p0 $0x0  }
0xca: {  	[sflag:s6] =	ssyncadd.s32 @!p0 $0xFFFFC000  }
0xcb: {  	[hbm4b:s2+s0] =	stream.linear.scatter @!p0 [tilespmem:s0], [sflag:$0x1], $0x8000, $0x38;
	[tilespmem:$0x10000] =	vst v63  }
0xcc: {  	_ = 	snop  }
0xcd: {  	[hbm4b:s3+s0] =	stream.linear.scatter @!p0 [tilespmem:s1], [sflag:$0x2], $0x8000, $0x38;
	[tilespmem:$0x10000] =	vst v63  }
0xce: {  	_ =	swait.ge @!p0 [sflag:s5], $0x8000  }
0xcf: {  	[sflag:s5] =	ssyncset.done @!p0 $0x0  }
0xd0: {  	[sflag:s5] =	ssyncadd.s32 @!p0 $0xFFFF8000  }
0xd1: {  	_ =	swait.ge @!p0 [sflag:s4], $0x8000  }
0xd2: {  	[sflag:s4] =	ssyncset.done @!p0 $0x0  }
0xd3: {  	[sflag:s4] =	ssyncadd.s32 @!p0 $0xFFFF8000  }
0xd4: {  	_ =	sfence.sel $0x180000  }
0xd5: {  	[bflag:$0x0] =	sbarrier.arrive $0xFFFF  }
0xd6: {  	p0 =	sne.s32 s18, $0x0;
	_ =	strace $0x90000047  }
0xd7: {  	s0 =	sadd.s32 @!p0 $0x100000, s17;
	[bflag:$0x2] =	sbarrier.arrive $0xFFFF  }
0xd8: {  	[sflag:s0] =	ssyncadd.tile.s32 @!p0 $0x1;
	_ =	shalt  }
.LBB2_2:
.Ltmp3:
0xd9: {  	(pc) =	sbr.rel .LBB2_5-.Ltmp3, $2  }
0xda: {  	_ =	sdelay $0x2  }
0xdb: {  	s17 =	rddreg [dreg:$0x6];
	s18 =	stileid.u32  }
.Lfunc_end2:
_tile_overlayer_lowered:
.L_overlay_start_2:
0xdc: {  	(tag) =	ssettag $0x2  }
0xdd: {  	s0 =	rddreg [dreg:$0x0];
	s2 =	stileid.u32  }
0xde: {  	s1 =	rddreg [dreg:$0x1];
	p0 =	sne.s32 s2, $0x0  }
0xdf: {  	s3 =	rddreg [dreg:$0x2];
	[bflag:$0x3] =	sbarrier.arrive $0xFFFF;
	s2 =	simm.s32 @!p0 $0x1C05  }
0xe0: {  	[timem:s3], [sflag:s2] =	dma.local @!p0 [hbm:s0], s1  }
0xe1: {  	s0 =	simm.s32 @!p0 $0x5  }
0xe2: {  	_ =	swait.ge @!p0 [sflag:s0], s1  }
0xe3: {  	s1 =	ssub.s32 @!p0 $0x0, s1;
	[sflag:s0] =	ssyncset.done @!p0 $0x0  }
0xe4: {  	[sflag:s0] =	ssyncadd.s32 @!p0 s1  }
0xe5: {  	[bflag:$0x3] =	sbarrier.arrive $0xFFFF  }
0xe6: {  	_ =	shalt  }

</sc_bundles>
